<compile_context>
chip_gen: v7x
topology: tpu7x:2x2x1
jax: 0.10.2.dev20260603
libtpu: 0.0.44.dev20260713+nightly
codegen_flags: <defaults>
</compile_context>

<pallas_src>
import functools

import jax
import jax.numpy as jnp
from jax import lax
from jax.experimental import pallas as pl
from jax.experimental.pallas import tpu as pltpu
from jax.experimental.pallas import tpu_sc as plsc

_B = 16384
_D = 128
_L = 16
_NC, _NS = 2, 16
_NW = _NC * _NS
_BPW = _B // _NW
_C = 128
_NCHUNK = _BPW // _C

_EPS = 1e-6
_MARGIN = 1.0


def _sc_distances(a, p, n, table):
    mesh = plsc.VectorSubcoreMesh(core_axis_name="c", subcore_axis_name="s")

    @functools.partial(
        pl.kernel,
        mesh=mesh,
        out_type=[
            jax.ShapeDtypeStruct((_B, _L), jnp.float32),
            jax.ShapeDtypeStruct((_B, _L), jnp.float32),
        ],
        scratch_types=[
            pltpu.VMEM((_C,), jnp.int32),
            pltpu.VMEM((_C,), jnp.int32),
            pltpu.VMEM((_C,), jnp.int32),
            pltpu.VMEM((_C, _D), jnp.float32),
            pltpu.VMEM((_C, _D), jnp.float32),
            pltpu.VMEM((_C, _D), jnp.float32),
            pltpu.VMEM((_C, _L), jnp.float32),
            pltpu.VMEM((_C, _L), jnp.float32),
            pltpu.SemaphoreType.DMA,
        ],
    )
    def body(a_h, p_h, n_h, tab_h, outp_h, outn_h,
             ia, ip, inn, ea, ep, en, dp, dn, sem):
        wid = lax.axis_index("s") * _NC + lax.axis_index("c")
        base = wid * _BPW

        def chunk_body(c, carry):
            r0 = base + c * _C
            pltpu.sync_copy(a_h.at[pl.ds(r0, _C)], ia)
            pltpu.sync_copy(p_h.at[pl.ds(r0, _C)], ip)
            pltpu.sync_copy(n_h.at[pl.ds(r0, _C)], inn)
            h1 = pltpu.async_copy(tab_h.at[ia], ea, sem)
            h2 = pltpu.async_copy(tab_h.at[ip], ep, sem)
            h3 = pltpu.async_copy(tab_h.at[inn], en, sem)
            h1.wait()
            h2.wait()
            h3.wait()

            def row_body(r, rcarry):
                accp = jnp.zeros((_L,), jnp.float32)
                accn = jnp.zeros((_L,), jnp.float32)
                for j in range(_D // _L):
                    s = pl.ds(j * _L, _L)
                    va = ea[r, s] + _EPS
                    tp = va - ep[r, s]
                    accp = accp + tp * tp
                    tn = va - en[r, s]
                    accn = accn + tn * tn
                dp[r, :] = accp
                dn[r, :] = accn
                return rcarry

            lax.fori_loop(0, _C, row_body, 0)
            pltpu.sync_copy(dp, outp_h.at[pl.ds(r0, _C)])
            pltpu.sync_copy(dn, outn_h.at[pl.ds(r0, _C)])
            return carry

        lax.fori_loop(0, _NCHUNK, chunk_body, 0)

    return body(a, p, n, table)


def _tc_finish(d2p, d2n):
    def body(dp_ref, dn_ref, o_ref):
        dpos = jnp.sqrt(jnp.sum(dp_ref[...], axis=1))
        dneg = jnp.sqrt(jnp.sum(dn_ref[...], axis=1))
        o_ref[0, 0] = jnp.mean(jnp.maximum(dpos - dneg + _MARGIN, 0.0))

    out = pl.pallas_call(
        body,
        out_shape=jax.ShapeDtypeStruct((1, 1), jnp.float32),
        out_specs=pl.BlockSpec(memory_space=pltpu.SMEM),
    )(d2p, d2n)
    return out[0, 0]


def kernel(a, p, n, table):
    a = a.astype(jnp.int32)
    p = p.astype(jnp.int32)
    n = n.astype(jnp.int32)
    d2p, d2n = _sc_distances(a, p, n, table)
    return _tc_finish(d2p, d2n)

# --- scband reference (transcript-rebuilt; emitter-appended) ---
"""Pipeline reference for scband-triplet-embedding-model-11862699672118 (READ-ONLY COPY).

The authoritative reference and input builder live on the scoring server;
editing this copy changes nothing except your own understanding.
"""

import jax, jax.numpy as jnp
import numpy as np

N_NODES = 100000
N_DIMS = 128
BATCH = 16384


def setup_inputs(seed: int = 0) -> dict:
    key = jax.random.key(seed)
    k1, k2, k3, k4 = jax.random.split(key, 4)
    a = jax.random.randint(k1, (BATCH,), 0, N_NODES, dtype=jnp.int64) if jax.config.read('jax_enable_x64') else jax.random.randint(k1, (BATCH,), 0, N_NODES).astype(jnp.int32)
    p = jax.random.randint(k2, (BATCH,), 0, N_NODES).astype(a.dtype)
    n = jax.random.randint(k3, (BATCH,), 0, N_NODES).astype(a.dtype)
    # nn.Embedding default init: N(0, 1)
    table = jax.random.normal(k4, (N_NODES, N_DIMS), dtype=jnp.float32)
    return {"a": a, "p": p, "n": n, "table": table}


def reference(a, p, n, table):
    # embedding lookups (SparseCore gather)
    ea = jnp.take(table, a, axis=0)
    ep = jnp.take(table, p, axis=0)
    en = jnp.take(table, n, axis=0)
    # torch TripletMarginLoss defaults: margin=1.0, p=2, eps=1e-6, reduction='mean'
    eps = 1e-6
    margin = 1.0
    d_pos = jnp.sqrt(jnp.sum((ea - ep + eps) ** 2, axis=-1))
    d_neg = jnp.sqrt(jnp.sum((ea - en + eps) ** 2, axis=-1))
    loss = jnp.mean(jnp.maximum(d_pos - d_neg + margin, 0.0))
    return loss

if __name__ == "__main__":
    import jax
    _d = setup_inputs()
    print(jax.jit(kernel)(*tuple(_d.values())))

</pallas_src>

<mosaic_0001>
#map = affine_map<(d0, d1) -> (0)>
#map1 = affine_map<(d0, d1) -> (0, 0)>
module attributes {stable_mosaic.version = 14 : i64} {
  func.func @body(%arg0: i32, %arg1: i32, %arg2: memref<16384xi32, #tpu.memory_space<hbm>>, %arg3: memref<16384xi32, #tpu.memory_space<hbm>>, %arg4: memref<16384xi32, #tpu.memory_space<hbm>>, %arg5: memref<100000x128xf32, #tpu.memory_space<hbm>>, %arg6: memref<16384x16xf32, #tpu.memory_space<hbm>>, %arg7: memref<16384x16xf32, #tpu.memory_space<hbm>>, %arg8: memref<128xi32, #tpu.memory_space<vmem>>, %arg9: memref<128xi32, #tpu.memory_space<vmem>>, %arg10: memref<128xi32, #tpu.memory_space<vmem>>, %arg11: memref<128x128xf32, #tpu.memory_space<vmem>>, %arg12: memref<128x128xf32, #tpu.memory_space<vmem>>, %arg13: memref<128x128xf32, #tpu.memory_space<vmem>>, %arg14: memref<128x16xf32, #tpu.memory_space<vmem>>, %arg15: memref<128x16xf32, #tpu.memory_space<vmem>>, %arg16: memref<!tpu.dma_semaphore, #tpu.memory_space<semaphore_mem>>) attributes {dimension_semantics = [#tpu.dimension_semantics<core_parallel>, #tpu.dimension_semantics<subcore_parallel>], iteration_bounds = array<i64: 2, 16>, scalar_prefetch = 0 : i64, scratch_operands = 9 : i64, tpu.core_type = #tpu.core_type<sc_vector_subcore>, window_params = [{transform_indices = #map}, {transform_indices = #map}, {transform_indices = #map}, {transform_indices = #map1}, {transform_indices = #map1}, {transform_indices = #map1}]} {
    %mul3A = arith.constant 2 : i32
    %mul3A_0 = arith.muli %arg1, %mul3A : i32
    %add3A = arith.addi %mul3A_0, %arg0 : i32
    %mul3A_1 = arith.constant 512 : i32
    %mul3A_2 = arith.muli %add3A, %mul3A_1 : i32
    %scan3A = arith.constant 0 : i32
    %scan3A_3 = arith.constant 0 : i32
    %scan3A_4 = arith.constant 4 : i32
    %scan3A_5 = arith.addi %scan3A_3, %scan3A_4 : i32
    %scan3A_6 = arith.constant 1 : i32
    scf.for %scan3A_8 = %scan3A_3 to %scan3A_5 step %scan3A_6  : i32 {
      %mul3A_9 = arith.constant 128 : i32
      %mul3A_10 = arith.muli %scan3A_8, %mul3A_9 : i32
      %add3A_11 = arith.addi %mul3A_2, %mul3A_10 : i32
      "tpu.region"() ({
        %run_scoped3A = tpu.sem_alloc : memref<!tpu.dma_semaphore, #tpu.memory_space<semaphore_mem>>
        %dma_start3A_34 = tpu.memref_slice %arg2[%add3A_11] : memref<16384xi32, #tpu.memory_space<hbm>> -> memref<128xi32, #tpu.memory_space<hbm>>
        %dma_start3A_35 = tpu.memref_slice %arg2[%add3A_11] : memref<16384xi32, #tpu.memory_space<hbm>> -> memref<128xi32, #tpu.memory_space<hbm>>
        tpu.enqueue_dma source(%dma_start3A_35 : memref<128xi32, #tpu.memory_space<hbm>>) target(%arg8 : memref<128xi32, #tpu.memory_space<vmem>>) target_semaphore(%run_scoped3A : memref<!tpu.dma_semaphore, #tpu.memory_space<semaphore_mem>>)
        %dma_wait3A_36 = tpu.memref_slice %arg2[%add3A_11] : memref<16384xi32, #tpu.memory_space<hbm>> -> memref<128xi32, #tpu.memory_space<hbm>>
        %dma_wait3A_37 = tpu.memref_slice %arg2[%add3A_11] : memref<16384xi32, #tpu.memory_space<hbm>> -> memref<128xi32, #tpu.memory_space<hbm>>
        tpu.wait_dma2 semaphore(%run_scoped3A : memref<!tpu.dma_semaphore, #tpu.memory_space<semaphore_mem>>) src(%dma_wait3A_37 : memref<128xi32, #tpu.memory_space<hbm>>) dst(%arg8 : memref<128xi32, #tpu.memory_space<vmem>>)
        tpu.yield
      }) : () -> ()
      "tpu.region"() ({
        %run_scoped3A = tpu.sem_alloc : memref<!tpu.dma_semaphore, #tpu.memory_space<semaphore_mem>>
        %dma_start3A_34 = tpu.memref_slice %arg3[%add3A_11] : memref<16384xi32, #tpu.memory_space<hbm>> -> memref<128xi32, #tpu.memory_space<hbm>>
        %dma_start3A_35 = tpu.memref_slice %arg3[%add3A_11] : memref<16384xi32, #tpu.memory_space<hbm>> -> memref<128xi32, #tpu.memory_space<hbm>>
        tpu.enqueue_dma source(%dma_start3A_35 : memref<128xi32, #tpu.memory_space<hbm>>) target(%arg9 : memref<128xi32, #tpu.memory_space<vmem>>) target_semaphore(%run_scoped3A : memref<!tpu.dma_semaphore, #tpu.memory_space<semaphore_mem>>)
        %dma_wait3A_36 = tpu.memref_slice %arg3[%add3A_11] : memref<16384xi32, #tpu.memory_space<hbm>> -> memref<128xi32, #tpu.memory_space<hbm>>
        %dma_wait3A_37 = tpu.memref_slice %arg3[%add3A_11] : memref<16384xi32, #tpu.memory_space<hbm>> -> memref<128xi32, #tpu.memory_space<hbm>>
        tpu.wait_dma2 semaphore(%run_scoped3A : memref<!tpu.dma_semaphore, #tpu.memory_space<semaphore_mem>>) src(%dma_wait3A_37 : memref<128xi32, #tpu.memory_space<hbm>>) dst(%arg9 : memref<128xi32, #tpu.memory_space<vmem>>)
        tpu.yield
      }) : () -> ()
      "tpu.region"() ({
        %run_scoped3A = tpu.sem_alloc : memref<!tpu.dma_semaphore, #tpu.memory_space<semaphore_mem>>
        %dma_start3A_34 = tpu.memref_slice %arg4[%add3A_11] : memref<16384xi32, #tpu.memory_space<hbm>> -> memref<128xi32, #tpu.memory_space<hbm>>
        %dma_start3A_35 = tpu.memref_slice %arg4[%add3A_11] : memref<16384xi32, #tpu.memory_space<hbm>> -> memref<128xi32, #tpu.memory_space<hbm>>
        tpu.enqueue_dma source(%dma_start3A_35 : memref<128xi32, #tpu.memory_space<hbm>>) target(%arg10 : memref<128xi32, #tpu.memory_space<vmem>>) target_semaphore(%run_scoped3A : memref<!tpu.dma_semaphore, #tpu.memory_space<semaphore_mem>>)
        %dma_wait3A_36 = tpu.memref_slice %arg4[%add3A_11] : memref<16384xi32, #tpu.memory_space<hbm>> -> memref<128xi32, #tpu.memory_space<hbm>>
        %dma_wait3A_37 = tpu.memref_slice %arg4[%add3A_11] : memref<16384xi32, #tpu.memory_space<hbm>> -> memref<128xi32, #tpu.memory_space<hbm>>
        tpu.wait_dma2 semaphore(%run_scoped3A : memref<!tpu.dma_semaphore, #tpu.memory_space<semaphore_mem>>) src(%dma_wait3A_37 : memref<128xi32, #tpu.memory_space<hbm>>) dst(%arg10 : memref<128xi32, #tpu.memory_space<vmem>>)
        tpu.yield
      }) : () -> ()
      %dma_start3A = arith.constant 0 : i32
      %dma_start3A_12 = arith.constant 0 : i32
      %dma_start3A_13 = tpu.memref_slice %arg5[%dma_start3A, %dma_start3A_12] : memref<100000x128xf32, #tpu.memory_space<hbm>> -> memref<100000x128xf32, #tpu.memory_space<hbm>>
      tpu.enqueue_indirect_dma source(%dma_start3A_13 : memref<100000x128xf32, #tpu.memory_space<hbm>>) target(%arg11 : memref<128x128xf32, #tpu.memory_space<vmem>>) offsets(%arg8 : memref<128xi32, #tpu.memory_space<vmem>>) semaphore(%arg16 : memref<!tpu.dma_semaphore, #tpu.memory_space<semaphore_mem>>)
      %dma_start3A_14 = arith.constant 0 : i32
      %dma_start3A_15 = arith.constant 0 : i32
      %dma_start3A_16 = tpu.memref_slice %arg5[%dma_start3A_14, %dma_start3A_15] : memref<100000x128xf32, #tpu.memory_space<hbm>> -> memref<100000x128xf32, #tpu.memory_space<hbm>>
      tpu.enqueue_indirect_dma source(%dma_start3A_16 : memref<100000x128xf32, #tpu.memory_space<hbm>>) target(%arg12 : memref<128x128xf32, #tpu.memory_space<vmem>>) offsets(%arg9 : memref<128xi32, #tpu.memory_space<vmem>>) semaphore(%arg16 : memref<!tpu.dma_semaphore, #tpu.memory_space<semaphore_mem>>)
      %dma_start3A_17 = arith.constant 0 : i32
      %dma_start3A_18 = arith.constant 0 : i32
      %dma_start3A_19 = tpu.memref_slice %arg5[%dma_start3A_17, %dma_start3A_18] : memref<100000x128xf32, #tpu.memory_space<hbm>> -> memref<100000x128xf32, #tpu.memory_space<hbm>>
      tpu.enqueue_indirect_dma source(%dma_start3A_19 : memref<100000x128xf32, #tpu.memory_space<hbm>>) target(%arg13 : memref<128x128xf32, #tpu.memory_space<vmem>>) offsets(%arg10 : memref<128xi32, #tpu.memory_space<vmem>>) semaphore(%arg16 : memref<!tpu.dma_semaphore, #tpu.memory_space<semaphore_mem>>)
      %dma_wait3A = arith.constant 0 : i32
      %dma_wait3A_20 = arith.constant 0 : i32
      %dma_wait3A_21 = tpu.memref_slice %arg5[%dma_wait3A, %dma_wait3A_20] : memref<100000x128xf32, #tpu.memory_space<hbm>> -> memref<100000x128xf32, #tpu.memory_space<hbm>>
      tpu.wait_indirect_dma semaphore(%arg16 : memref<!tpu.dma_semaphore, #tpu.memory_space<semaphore_mem>>) src(%dma_wait3A_21 : memref<100000x128xf32, #tpu.memory_space<hbm>>) dst(%arg11 : memref<128x128xf32, #tpu.memory_space<vmem>>)
      %dma_wait3A_22 = arith.constant 0 : i32
      %dma_wait3A_23 = arith.constant 0 : i32
      %dma_wait3A_24 = tpu.memref_slice %arg5[%dma_wait3A_22, %dma_wait3A_23] : memref<100000x128xf32, #tpu.memory_space<hbm>> -> memref<100000x128xf32, #tpu.memory_space<hbm>>
      tpu.wait_indirect_dma semaphore(%arg16 : memref<!tpu.dma_semaphore, #tpu.memory_space<semaphore_mem>>) src(%dma_wait3A_24 : memref<100000x128xf32, #tpu.memory_space<hbm>>) dst(%arg12 : memref<128x128xf32, #tpu.memory_space<vmem>>)
      %dma_wait3A_25 = arith.constant 0 : i32
      %dma_wait3A_26 = arith.constant 0 : i32
      %dma_wait3A_27 = tpu.memref_slice %arg5[%dma_wait3A_25, %dma_wait3A_26] : memref<100000x128xf32, #tpu.memory_space<hbm>> -> memref<100000x128xf32, #tpu.memory_space<hbm>>
      tpu.wait_indirect_dma semaphore(%arg16 : memref<!tpu.dma_semaphore, #tpu.memory_space<semaphore_mem>>) src(%dma_wait3A_27 : memref<100000x128xf32, #tpu.memory_space<hbm>>) dst(%arg13 : memref<128x128xf32, #tpu.memory_space<vmem>>)
      %scan3A_28 = arith.constant 0 : i32
      %scan3A_29 = arith.constant 0 : i32
      %scan3A_30 = arith.constant 128 : i32
      %scan3A_31 = arith.addi %scan3A_29, %scan3A_30 : i32
      %scan3A_32 = arith.constant 1 : i32
      scf.for %scan3A_34 = %scan3A_29 to %scan3A_31 step %scan3A_32  : i32 {
        %broadcast_in_dim3A = arith.constant 0.000000e+00 : f32
        %broadcast_in_dim3A_35 = vector.broadcast %broadcast_in_dim3A : f32 to vector<16xf32>
        %broadcast_in_dim3A_36 = arith.constant 0.000000e+00 : f32
        %broadcast_in_dim3A_37 = vector.broadcast %broadcast_in_dim3A_36 : f32 to vector<16xf32>
        %get3A = arith.index_cast %scan3A_34 : i32 to index
        %get3A_38 = arith.constant 0 : index
        %get3A_39 = tpu.vector_load %arg11[%get3A, %get3A_38] {strides = array<i32>} : memref<128x128xf32, #tpu.memory_space<vmem>>, vector<1x16xf32>,
        %get3A_40 = vector.shape_cast %get3A_39 : vector<1x16xf32> to vector<16xf32>
        %add3A_41 = arith.constant 9.99999997E-7 : f32
        %add3A_42 = vector.broadcast %add3A_41 : f32 to vector<16xf32>
        %add3A_43 = arith.addf %get3A_40, %add3A_42 : vector<16xf32>
        %get3A_44 = arith.index_cast %scan3A_34 : i32 to index
        %get3A_45 = arith.constant 0 : index
        %get3A_46 = tpu.vector_load %arg12[%get3A_44, %get3A_45] {strides = array<i32>} : memref<128x128xf32, #tpu.memory_space<vmem>>, vector<1x16xf32>,
        %get3A_47 = vector.shape_cast %get3A_46 : vector<1x16xf32> to vector<16xf32>
        %sub3A = arith.subf %add3A_43, %get3A_47 : vector<16xf32>
        %mul3A_48 = arith.mulf %sub3A, %sub3A : vector<16xf32>
        %add3A_49 = arith.addf %broadcast_in_dim3A_35, %mul3A_48 : vector<16xf32>
        %get3A_50 = arith.index_cast %scan3A_34 : i32 to index
        %get3A_51 = arith.constant 0 : index
        %get3A_52 = tpu.vector_load %arg13[%get3A_50, %get3A_51] {strides = array<i32>} : memref<128x128xf32, #tpu.memory_space<vmem>>, vector<1x16xf32>,
        %get3A_53 = vector.shape_cast %get3A_52 : vector<1x16xf32> to vector<16xf32>
        %sub3A_54 = arith.subf %add3A_43, %get3A_53 : vector<16xf32>
        %mul3A_55 = arith.mulf %sub3A_54, %sub3A_54 : vector<16xf32>
        %add3A_56 = arith.addf %broadcast_in_dim3A_37, %mul3A_55 : vector<16xf32>
        %get3A_57 = arith.index_cast %scan3A_34 : i32 to index
        %get3A_58 = arith.constant 16 : index
        %get3A_59 = tpu.vector_load %arg11[%get3A_57, %get3A_58] {strides = array<i32>} : memref<128x128xf32, #tpu.memory_space<vmem>>, vector<1x16xf32>,
        %get3A_60 = vector.shape_cast %get3A_59 : vector<1x16xf32> to vector<16xf32>
        %add3A_61 = arith.constant 9.99999997E-7 : f32
        %add3A_62 = vector.broadcast %add3A_61 : f32 to vector<16xf32>
        %add3A_63 = arith.addf %get3A_60, %add3A_62 : vector<16xf32>
        %get3A_64 = arith.index_cast %scan3A_34 : i32 to index
        %get3A_65 = arith.constant 16 : index
        %get3A_66 = tpu.vector_load %arg12[%get3A_64, %get3A_65] {strides = array<i32>} : memref<128x128xf32, #tpu.memory_space<vmem>>, vector<1x16xf32>,
        %get3A_67 = vector.shape_cast %get3A_66 : vector<1x16xf32> to vector<16xf32>
        %sub3A_68 = arith.subf %add3A_63, %get3A_67 : vector<16xf32>
        %mul3A_69 = arith.mulf %sub3A_68, %sub3A_68 : vector<16xf32>
        %add3A_70 = arith.addf %add3A_49, %mul3A_69 : vector<16xf32>
        %get3A_71 = arith.index_cast %scan3A_34 : i32 to index
        %get3A_72 = arith.constant 16 : index
        %get3A_73 = tpu.vector_load %arg13[%get3A_71, %get3A_72] {strides = array<i32>} : memref<128x128xf32, #tpu.memory_space<vmem>>, vector<1x16xf32>,
        %get3A_74 = vector.shape_cast %get3A_73 : vector<1x16xf32> to vector<16xf32>
        %sub3A_75 = arith.subf %add3A_63, %get3A_74 : vector<16xf32>
        %mul3A_76 = arith.mulf %sub3A_75, %sub3A_75 : vector<16xf32>
        %add3A_77 = arith.addf %add3A_56, %mul3A_76 : vector<16xf32>
        %get3A_78 = arith.index_cast %scan3A_34 : i32 to index
        %get3A_79 = arith.constant 32 : index
        %get3A_80 = tpu.vector_load %arg11[%get3A_78, %get3A_79] {strides = array<i32>} : memref<128x128xf32, #tpu.memory_space<vmem>>, vector<1x16xf32>,
        %get3A_81 = vector.shape_cast %get3A_80 : vector<1x16xf32> to vector<16xf32>
        %add3A_82 = arith.constant 9.99999997E-7 : f32
        %add3A_83 = vector.broadcast %add3A_82 : f32 to vector<16xf32>
        %add3A_84 = arith.addf %get3A_81, %add3A_83 : vector<16xf32>
        %get3A_85 = arith.index_cast %scan3A_34 : i32 to index
        %get3A_86 = arith.constant 32 : index
        %get3A_87 = tpu.vector_load %arg12[%get3A_85, %get3A_86] {strides = array<i32>} : memref<128x128xf32, #tpu.memory_space<vmem>>, vector<1x16xf32>,
        %get3A_88 = vector.shape_cast %get3A_87 : vector<1x16xf32> to vector<16xf32>
        %sub3A_89 = arith.subf %add3A_84, %get3A_88 : vector<16xf32>
        %mul3A_90 = arith.mulf %sub3A_89, %sub3A_89 : vector<16xf32>
        %add3A_91 = arith.addf %add3A_70, %mul3A_90 : vector<16xf32>
        %get3A_92 = arith.index_cast %scan3A_34 : i32 to index
        %get3A_93 = arith.constant 32 : index
        %get3A_94 = tpu.vector_load %arg13[%get3A_92, %get3A_93] {strides = array<i32>} : memref<128x128xf32, #tpu.memory_space<vmem>>, vector<1x16xf32>,
        %get3A_95 = vector.shape_cast %get3A_94 : vector<1x16xf32> to vector<16xf32>
        %sub3A_96 = arith.subf %add3A_84, %get3A_95 : vector<16xf32>
        %mul3A_97 = arith.mulf %sub3A_96, %sub3A_96 : vector<16xf32>
        %add3A_98 = arith.addf %add3A_77, %mul3A_97 : vector<16xf32>
        %get3A_99 = arith.index_cast %scan3A_34 : i32 to index
        %get3A_100 = arith.constant 48 : index
        %get3A_101 = tpu.vector_load %arg11[%get3A_99, %get3A_100] {strides = array<i32>} : memref<128x128xf32, #tpu.memory_space<vmem>>, vector<1x16xf32>,
        %get3A_102 = vector.shape_cast %get3A_101 : vector<1x16xf32> to vector<16xf32>
        %add3A_103 = arith.constant 9.99999997E-7 : f32
        %add3A_104 = vector.broadcast %add3A_103 : f32 to vector<16xf32>
        %add3A_105 = arith.addf %get3A_102, %add3A_104 : vector<16xf32>
        %get3A_106 = arith.index_cast %scan3A_34 : i32 to index
        %get3A_107 = arith.constant 48 : index
        %get3A_108 = tpu.vector_load %arg12[%get3A_106, %get3A_107] {strides = array<i32>} : memref<128x128xf32, #tpu.memory_space<vmem>>, vector<1x16xf32>,
        %get3A_109 = vector.shape_cast %get3A_108 : vector<1x16xf32> to vector<16xf32>
        %sub3A_110 = arith.subf %add3A_105, %get3A_109 : vector<16xf32>
        %mul3A_111 = arith.mulf %sub3A_110, %sub3A_110 : vector<16xf32>
        %add3A_112 = arith.addf %add3A_91, %mul3A_111 : vector<16xf32>
        %get3A_113 = arith.index_cast %scan3A_34 : i32 to index
        %get3A_114 = arith.constant 48 : index
        %get3A_115 = tpu.vector_load %arg13[%get3A_113, %get3A_114] {strides = array<i32>} : memref<128x128xf32, #tpu.memory_space<vmem>>, vector<1x16xf32>,
        %get3A_116 = vector.shape_cast %get3A_115 : vector<1x16xf32> to vector<16xf32>
        %sub3A_117 = arith.subf %add3A_105, %get3A_116 : vector<16xf32>
        %mul3A_118 = arith.mulf %sub3A_117, %sub3A_117 : vector<16xf32>
        %add3A_119 = arith.addf %add3A_98, %mul3A_118 : vector<16xf32>
        %get3A_120 = arith.index_cast %scan3A_34 : i32 to index
        %get3A_121 = arith.constant 64 : index
        %get3A_122 = tpu.vector_load %arg11[%get3A_120, %get3A_121] {strides = array<i32>} : memref<128x128xf32, #tpu.memory_space<vmem>>, vector<1x16xf32>,
        %get3A_123 = vector.shape_cast %get3A_122 : vector<1x16xf32> to vector<16xf32>
        %add3A_124 = arith.constant 9.99999997E-7 : f32
        %add3A_125 = vector.broadcast %add3A_124 : f32 to vector<16xf32>
        %add3A_126 = arith.addf %get3A_123, %add3A_125 : vector<16xf32>
        %get3A_127 = arith.index_cast %scan3A_34 : i32 to index
        %get3A_128 = arith.constant 64 : index
        %get3A_129 = tpu.vector_load %arg12[%get3A_127, %get3A_128] {strides = array<i32>} : memref<128x128xf32, #tpu.memory_space<vmem>>, vector<1x16xf32>,
        %get3A_130 = vector.shape_cast %get3A_129 : vector<1x16xf32> to vector<16xf32>
        %sub3A_131 = arith.subf %add3A_126, %get3A_130 : vector<16xf32>
        %mul3A_132 = arith.mulf %sub3A_131, %sub3A_131 : vector<16xf32>
        %add3A_133 = arith.addf %add3A_112, %mul3A_132 : vector<16xf32>
        %get3A_134 = arith.index_cast %scan3A_34 : i32 to index
        %get3A_135 = arith.constant 64 : index
        %get3A_136 = tpu.vector_load %arg13[%get3A_134, %get3A_135] {strides = array<i32>} : memref<128x128xf32, #tpu.memory_space<vmem>>, vector<1x16xf32>,
        %get3A_137 = vector.shape_cast %get3A_136 : vector<1x16xf32> to vector<16xf32>
        %sub3A_138 = arith.subf %add3A_126, %get3A_137 : vector<16xf32>
        %mul3A_139 = arith.mulf %sub3A_138, %sub3A_138 : vector<16xf32>
        %add3A_140 = arith.addf %add3A_119, %mul3A_139 : vector<16xf32>
        %get3A_141 = arith.index_cast %scan3A_34 : i32 to index
        %get3A_142 = arith.constant 80 : index
        %get3A_143 = tpu.vector_load %arg11[%get3A_141, %get3A_142] {strides = array<i32>} : memref<128x128xf32, #tpu.memory_space<vmem>>, vector<1x16xf32>,
        %get3A_144 = vector.shape_cast %get3A_143 : vector<1x16xf32> to vector<16xf32>
        %add3A_145 = arith.constant 9.99999997E-7 : f32
        %add3A_146 = vector.broadcast %add3A_145 : f32 to vector<16xf32>
        %add3A_147 = arith.addf %get3A_144, %add3A_146 : vector<16xf32>
        %get3A_148 = arith.index_cast %scan3A_34 : i32 to index
        %get3A_149 = arith.constant 80 : index
        %get3A_150 = tpu.vector_load %arg12[%get3A_148, %get3A_149] {strides = array<i32>} : memref<128x128xf32, #tpu.memory_space<vmem>>, vector<1x16xf32>,
        %get3A_151 = vector.shape_cast %get3A_150 : vector<1x16xf32> to vector<16xf32>
        %sub3A_152 = arith.subf %add3A_147, %get3A_151 : vector<16xf32>
        %mul3A_153 = arith.mulf %sub3A_152, %sub3A_152 : vector<16xf32>
        %add3A_154 = arith.addf %add3A_133, %mul3A_153 : vector<16xf32>
        %get3A_155 = arith.index_cast %scan3A_34 : i32 to index
        %get3A_156 = arith.constant 80 : index
        %get3A_157 = tpu.vector_load %arg13[%get3A_155, %get3A_156] {strides = array<i32>} : memref<128x128xf32, #tpu.memory_space<vmem>>, vector<1x16xf32>,
        %get3A_158 = vector.shape_cast %get3A_157 : vector<1x16xf32> to vector<16xf32>
        %sub3A_159 = arith.subf %add3A_147, %get3A_158 : vector<16xf32>
        %mul3A_160 = arith.mulf %sub3A_159, %sub3A_159 : vector<16xf32>
        %add3A_161 = arith.addf %add3A_140, %mul3A_160 : vector<16xf32>
        %get3A_162 = arith.index_cast %scan3A_34 : i32 to index
        %get3A_163 = arith.constant 96 : index
        %get3A_164 = tpu.vector_load %arg11[%get3A_162, %get3A_163] {strides = array<i32>} : memref<128x128xf32, #tpu.memory_space<vmem>>, vector<1x16xf32>,
        %get3A_165 = vector.shape_cast %get3A_164 : vector<1x16xf32> to vector<16xf32>
        %add3A_166 = arith.constant 9.99999997E-7 : f32
        %add3A_167 = vector.broadcast %add3A_166 : f32 to vector<16xf32>
        %add3A_168 = arith.addf %get3A_165, %add3A_167 : vector<16xf32>
        %get3A_169 = arith.index_cast %scan3A_34 : i32 to index
        %get3A_170 = arith.constant 96 : index
        %get3A_171 = tpu.vector_load %arg12[%get3A_169, %get3A_170] {strides = array<i32>} : memref<128x128xf32, #tpu.memory_space<vmem>>, vector<1x16xf32>,
        %get3A_172 = vector.shape_cast %get3A_171 : vector<1x16xf32> to vector<16xf32>
        %sub3A_173 = arith.subf %add3A_168, %get3A_172 : vector<16xf32>
        %mul3A_174 = arith.mulf %sub3A_173, %sub3A_173 : vector<16xf32>
        %add3A_175 = arith.addf %add3A_154, %mul3A_174 : vector<16xf32>
        %get3A_176 = arith.index_cast %scan3A_34 : i32 to index
        %get3A_177 = arith.constant 96 : index
        %get3A_178 = tpu.vector_load %arg13[%get3A_176, %get3A_177] {strides = array<i32>} : memref<128x128xf32, #tpu.memory_space<vmem>>, vector<1x16xf32>,
        %get3A_179 = vector.shape_cast %get3A_178 : vector<1x16xf32> to vector<16xf32>
        %sub3A_180 = arith.subf %add3A_168, %get3A_179 : vector<16xf32>
        %mul3A_181 = arith.mulf %sub3A_180, %sub3A_180 : vector<16xf32>
        %add3A_182 = arith.addf %add3A_161, %mul3A_181 : vector<16xf32>
        %get3A_183 = arith.index_cast %scan3A_34 : i32 to index
        %get3A_184 = arith.constant 112 : index
        %get3A_185 = tpu.vector_load %arg11[%get3A_183, %get3A_184] {strides = array<i32>} : memref<128x128xf32, #tpu.memory_space<vmem>>, vector<1x16xf32>,
        %get3A_186 = vector.shape_cast %get3A_185 : vector<1x16xf32> to vector<16xf32>
        %add3A_187 = arith.constant 9.99999997E-7 : f32
        %add3A_188 = vector.broadcast %add3A_187 : f32 to vector<16xf32>
        %add3A_189 = arith.addf %get3A_186, %add3A_188 : vector<16xf32>
        %get3A_190 = arith.index_cast %scan3A_34 : i32 to index
        %get3A_191 = arith.constant 112 : index
        %get3A_192 = tpu.vector_load %arg12[%get3A_190, %get3A_191] {strides = array<i32>} : memref<128x128xf32, #tpu.memory_space<vmem>>, vector<1x16xf32>,
        %get3A_193 = vector.shape_cast %get3A_192 : vector<1x16xf32> to vector<16xf32>
        %sub3A_194 = arith.subf %add3A_189, %get3A_193 : vector<16xf32>
        %mul3A_195 = arith.mulf %sub3A_194, %sub3A_194 : vector<16xf32>
        %add3A_196 = arith.addf %add3A_175, %mul3A_195 : vector<16xf32>
        %get3A_197 = arith.index_cast %scan3A_34 : i32 to index
        %get3A_198 = arith.constant 112 : index
        %get3A_199 = tpu.vector_load %arg13[%get3A_197, %get3A_198] {strides = array<i32>} : memref<128x128xf32, #tpu.memory_space<vmem>>, vector<1x16xf32>,
        %get3A_200 = vector.shape_cast %get3A_199 : vector<1x16xf32> to vector<16xf32>
        %sub3A_201 = arith.subf %add3A_189, %get3A_200 : vector<16xf32>
        %mul3A_202 = arith.mulf %sub3A_201, %sub3A_201 : vector<16xf32>
        %add3A_203 = arith.addf %add3A_182, %mul3A_202 : vector<16xf32>
        %swap3A = arith.index_cast %scan3A_34 : i32 to index
        %swap3A_204 = arith.constant 0 : index
        %swap3A_205 = tpu.vector_load %arg14[%swap3A, %swap3A_204] {strides = array<i32>} : memref<128x16xf32, #tpu.memory_space<vmem>>, vector<1x16xf32>,
        %swap3A_206 = vector.shape_cast %swap3A_205 : vector<1x16xf32> to vector<16xf32>
        %swap3A_207 = vector.shape_cast %add3A_196 : vector<16xf32> to vector<1x16xf32>
        tpu.vector_store %arg14[%swap3A, %swap3A_204], %swap3A_207 {strides = array<i32>} : memref<128x16xf32, #tpu.memory_space<vmem>>, vector<1x16xf32>,
        %swap3A_208 = arith.index_cast %scan3A_34 : i32 to index
        %swap3A_209 = arith.constant 0 : index
        %swap3A_210 = tpu.vector_load %arg15[%swap3A_208, %swap3A_209] {strides = array<i32>} : memref<128x16xf32, #tpu.memory_space<vmem>>, vector<1x16xf32>,
        %swap3A_211 = vector.shape_cast %swap3A_210 : vector<1x16xf32> to vector<16xf32>
        %swap3A_212 = vector.shape_cast %add3A_203 : vector<16xf32> to vector<1x16xf32>
        tpu.vector_store %arg15[%swap3A_208, %swap3A_209], %swap3A_212 {strides = array<i32>} : memref<128x16xf32, #tpu.memory_space<vmem>>, vector<1x16xf32>,
      }
      %scan3A_33 = arith.constant 128 : i32
      "tpu.region"() ({
        %run_scoped3A = tpu.sem_alloc : memref<!tpu.dma_semaphore, #tpu.memory_space<semaphore_mem>>
        %dma_start3A_34 = arith.constant 0 : i32
        %dma_start3A_35 = tpu.memref_slice %arg6[%add3A_11, %dma_start3A_34] : memref<16384x16xf32, #tpu.memory_space<hbm>> -> memref<128x16xf32, #tpu.memory_space<hbm>>
        %dma_start3A_36 = arith.constant 0 : i32
        %dma_start3A_37 = tpu.memref_slice %arg6[%add3A_11, %dma_start3A_36] : memref<16384x16xf32, #tpu.memory_space<hbm>> -> memref<128x16xf32, #tpu.memory_space<hbm>>
        tpu.enqueue_dma source(%arg14 : memref<128x16xf32, #tpu.memory_space<vmem>>) target(%dma_start3A_37 : memref<128x16xf32, #tpu.memory_space<hbm>>) target_semaphore(%run_scoped3A : memref<!tpu.dma_semaphore, #tpu.memory_space<semaphore_mem>>)
        %dma_wait3A_38 = arith.constant 0 : i32
        %dma_wait3A_39 = tpu.memref_slice %arg6[%add3A_11, %dma_wait3A_38] : memref<16384x16xf32, #tpu.memory_space<hbm>> -> memref<128x16xf32, #tpu.memory_space<hbm>>
        %dma_wait3A_40 = arith.constant 0 : i32
        %dma_wait3A_41 = tpu.memref_slice %arg6[%add3A_11, %dma_wait3A_40] : memref<16384x16xf32, #tpu.memory_space<hbm>> -> memref<128x16xf32, #tpu.memory_space<hbm>>
        tpu.wait_dma2 semaphore(%run_scoped3A : memref<!tpu.dma_semaphore, #tpu.memory_space<semaphore_mem>>) src(%arg14 : memref<128x16xf32, #tpu.memory_space<vmem>>) dst(%dma_wait3A_41 : memref<128x16xf32, #tpu.memory_space<hbm>>)
        tpu.yield
      }) : () -> ()
      "tpu.region"() ({
        %run_scoped3A = tpu.sem_alloc : memref<!tpu.dma_semaphore, #tpu.memory_space<semaphore_mem>>
        %dma_start3A_34 = arith.constant 0 : i32
        %dma_start3A_35 = tpu.memref_slice %arg7[%add3A_11, %dma_start3A_34] : memref<16384x16xf32, #tpu.memory_space<hbm>> -> memref<128x16xf32, #tpu.memory_space<hbm>>
        %dma_start3A_36 = arith.constant 0 : i32
        %dma_start3A_37 = tpu.memref_slice %arg7[%add3A_11, %dma_start3A_36] : memref<16384x16xf32, #tpu.memory_space<hbm>> -> memref<128x16xf32, #tpu.memory_space<hbm>>
        tpu.enqueue_dma source(%arg15 : memref<128x16xf32, #tpu.memory_space<vmem>>) target(%dma_start3A_37 : memref<128x16xf32, #tpu.memory_space<hbm>>) target_semaphore(%run_scoped3A : memref<!tpu.dma_semaphore, #tpu.memory_space<semaphore_mem>>)
        %dma_wait3A_38 = arith.constant 0 : i32
        %dma_wait3A_39 = tpu.memref_slice %arg7[%add3A_11, %dma_wait3A_38] : memref<16384x16xf32, #tpu.memory_space<hbm>> -> memref<128x16xf32, #tpu.memory_space<hbm>>
        %dma_wait3A_40 = arith.constant 0 : i32
        %dma_wait3A_41 = tpu.memref_slice %arg7[%add3A_11, %dma_wait3A_40] : memref<16384x16xf32, #tpu.memory_space<hbm>> -> memref<128x16xf32, #tpu.memory_space<hbm>>
        tpu.wait_dma2 semaphore(%run_scoped3A : memref<!tpu.dma_semaphore, #tpu.memory_space<semaphore_mem>>) src(%arg15 : memref<128x16xf32, #tpu.memory_space<vmem>>) dst(%dma_wait3A_41 : memref<128x16xf32, #tpu.memory_space<hbm>>)
        tpu.yield
      }) : () -> ()
    }
    %scan3A_7 = arith.constant 4 : i32
    return
  }
}

module attributes {stable_mosaic.version = 14 : i64} {
  func.func @body(%arg0: memref<16384x16xf32, #tpu.memory_space<vmem>>, %arg1: memref<16384x16xf32, #tpu.memory_space<vmem>>, %arg2: memref<1x1xf32, #tpu.memory_space<smem>>) attributes {dimension_semantics = [], scalar_prefetch = 0 : i64, scratch_operands = 0 : i64, tpu.core_type = #tpu.core_type<tc>} {
    %get3A = arith.constant 0 : index
    %get3A_0 = arith.constant 0 : index
    %get3A_1 = vector.load %arg0[%get3A, %get3A_0] : memref<16384x16xf32, #tpu.memory_space<vmem>>, vector<16384x16xf32>
    %reduce_sum3A = arith.constant dense<0.000000e+00> : vector<16384xf32>
    %reduce_sum3A_2 = vector.multi_reduction <add>, %get3A_1, %reduce_sum3A [1] : vector<16384x16xf32> to vector<16384xf32>
    %sqrt3A = math.sqrt %reduce_sum3A_2 : vector<16384xf32>
    %get3A_3 = arith.constant 0 : index
    %get3A_4 = arith.constant 0 : index
    %get3A_5 = vector.load %arg1[%get3A_3, %get3A_4] : memref<16384x16xf32, #tpu.memory_space<vmem>>, vector<16384x16xf32>
    %reduce_sum3A_6 = arith.constant dense<0.000000e+00> : vector<16384xf32>
    %reduce_sum3A_7 = vector.multi_reduction <add>, %get3A_5, %reduce_sum3A_6 [1] : vector<16384x16xf32> to vector<16384xf32>
    %sqrt3A_8 = math.sqrt %reduce_sum3A_7 : vector<16384xf32>
    %sub3A = arith.subf %sqrt3A, %sqrt3A_8 : vector<16384xf32>
    %add3A = arith.constant 1.000000e+00 : f32
    %add3A_9 = vector.broadcast %add3A : f32 to vector<16384xf32>
    %add3A_10 = arith.addf %sub3A, %add3A_9 : vector<16384xf32>
    %max3A = arith.constant 0.000000e+00 : f32
    %max3A_11 = vector.broadcast %max3A : f32 to vector<16384xf32>
    %max3A_12 = arith.maximumf %add3A_10, %max3A_11 : vector<16384xf32>
    %reduce_sum3A_13 = vector.shape_cast %max3A_12 : vector<16384xf32> to vector<1x16384xf32>
    %reduce_sum3A_14 = arith.constant dense<0.000000e+00> : vector<1xf32>
    %reduce_sum3A_15 = vector.multi_reduction <add>, %reduce_sum3A_13, %reduce_sum3A_14 [1] : vector<1x16384xf32> to vector<1xf32>
    %reduce_sum3A_16 = vector.shape_cast %reduce_sum3A_15 : vector<1xf32> to vector<1x1xf32>
    %reduce_sum3A_17 = vector.extract %reduce_sum3A_16[0, 0] : f32 from vector<1x1xf32>
    %div3A = arith.constant 1.638400e+04 : f32
    %div3A_18 = arith.divf %reduce_sum3A_17, %div3A : f32
    %swap3A = arith.constant 0 : index
    %swap3A_19 = arith.constant 0 : index
    %swap3A_20 = memref.load %arg2[%swap3A, %swap3A_19] : memref<1x1xf32, #tpu.memory_space<smem>>
    memref.store %div3A_18, %arg2[%swap3A, %swap3A_19] : memref<1x1xf32, #tpu.memory_space<smem>>
    return
  }
}

</mosaic_0001>

<sc_bundles>
// kernel: kernel.4.cloned.1.call-start
scs
__scs_entry_jumppad:
0x0: {  	(pc) =	sbr.rel $0x88, $3  }
0x1: {  	(tag) =	ssettag $0x0;
	lr =	simm.s32 $0x1  }
0x2: {  	[smem:$0x3F9D] =	sst lr;
	_ =	strace $0xD0000000  }
0x3: {  	_ = 	snop  }
0x4: {  	_ = 	snop  }
0x5: {  	_ = 	snop  }
0x6: {  	_ = 	snop  }
0x7: {  	_ = 	snop  }
__scs_overlays_trampoline_lowered:
0x8: {  	[smem:$0x3FAC] =	sst s0  }
0x9: {  	[smem:$0x3FAD] =	sst s1  }
0xa: {  	[smem:$0x3FAE] =	sst s2  }
0xb: {  	[smem:$0x3FAF] =	sst s3  }
0xc: {  	[smem:$0x3FB0] =	sst s4  }
0xd: {  	[smem:$0x3FB1] =	sst s5  }
0xe: {  	[smem:$0x3FB2] =	sst s6  }
0xf: {  	[smem:$0x3FB3] =	sst s7  }
0x10: {  	[smem:$0x3FB4] =	sst s8  }
0x11: {  	[smem:$0x3FB5] =	sst s9;
	s0 =	simm.s32 @!p0 $0x0  }
0x12: {  	s1 =	sld [smem:$0x3F9B];
	s0 =	simm.s32 @p0 $0x1  }
0x13: {  	[smem:$0x3FB6] =	sst s0;
	s0 =	simm.s32 @!p1 $0x0  }
0x14: {  	s2 =	sld [smem:$0x3F9A];
	s0 =	simm.s32 @p1 $0x1  }
0x15: {  	[smem:$0x3FB7] =	sst s0;
	s0 =	simm.s32 @!p2 $0x0  }
0x16: {  	s3 =	sld [smem:$0x3FDB];
	s0 =	simm.s32 @p2 $0x1  }
0x17: {  	s4 =	simm.s32 $0x1BF5;
	[smem:$0x3FB9] =	sst s0  }
0x18: {  	s0 =	sld [smem:$0x3F9C];
	_ =	swait.ge [sflag:s4], $0x0  }
0x19: {  	s7 =	sld [smem:$0x3F9D]  }
0x1a: {  	s8 =	sadd.s32 $0xFFFFE003, lr  }
0x1b: {  	s9 =	sadd.s32 $0xFFFFFEF7, lr;
	s5 =	simm.s32 $0xFFFFFFFF;
	p2 =	slt.u32 s8, $0xFFFFF086  }
0x1c: {  	p1 =	slt.u32 s9, $0xF7A;
	s5 =	simm.s32 @!p2 $0x0  }
0x1d: {  	s5 =	simm.s32 @p1 $0x1;
	p0 =	seq.s32 s7, s2  }
0x1e: {  	s7 =	smul.u32 @!p0 $0xF7A, s2;
	p2 =	seq.s32 @!p0 s5, $0x0  }
0x1f: {  	s9 =	smul.u32 $0xF7A, s1;
	s8 =	simm.s32 @!p0 $0x1BF5;
	p2 =	por !p2, p0  }
0x20: {  	[sflag:s8] =	ssyncset.s32 @!p0 $0xFFFFF086;
	s6 =	sadd.s32 @!p0 s3, s7;
	s7 =	simm.s32 @!p0 $0x108  }
0x21: {  	s3 =	sadd.s32 s3, s9;
	s6 =	sadd.s32 @!p0 $0x88, s6;
	s7 =	simm.s32 @p2 $0x1082  }
0x22: {  	[simem:s7], [sflag:s8] =	dma.local @!p0 [hbm:s6], $0xF7A  }
0x23: {  	s9 =	sor.u32 $0xD0000000, s2;
	s6 =	simm.s32 $0x108;
	_ =	swait.ge @!p0 [sflag:s8], $0x0  }
0x24: {  	s3 =	sadd.s32 $0x88, s3;
	s6 =	simm.s32 @!p1 $0x1082;
	[sflag:s4] =	ssyncset.s32 $0xFFFFF086  }
0x25: {  	[simem:s6], [sflag:s4] =	dma.local [hbm:s3], $0xF7A  }
0x26: {  	[smem:$0x3F9D] =	sst s1;
	(tag) =	ssettag s2;
	_ =	strace s9  }
0x27: {  	s1 =	sld [smem:$0x3FAD]  }
0x28: {  	s2 =	sld [smem:$0x3FAE]  }
0x29: {  	s4 =	sld [smem:$0x3FB0]  }
0x2a: {  	p0 =	seq.s32 s5, $0x0;
	s5 =	sld [smem:$0x3FB1]  }
0x2b: {  	s6 =	sld [smem:$0x3FB2]  }
0x2c: {  	s7 =	sld [smem:$0x3FB3]  }
0x2d: {  	s3 =	simm.s32 $0x108;
	s8 =	sld [smem:$0x3FB4]  }
0x2e: {  	s3 =	simm.s32 @!p0 $0x1082;
	s9 =	sld [smem:$0x3FB5]  }
0x2f: {  	lr =	sadd.s32 s0, s3;
	s0 =	sld [smem:$0x3FAC]  }
0x30: {  	s3 =	sld [smem:$0x3FAF]  }
0x31: {  	[smem:$0x3FB8] =	sst s10  }
0x32: {  	s10 =	sld [smem:$0x3FB6];
	_ =	sdelay $0x3  }
0x33: {  	p0 =	seq.s32 s10, $0x1;
	s10 =	sld [smem:$0x3FB8];
	_ =	sdelay $0x3  }
0x34: {  	[smem:$0x3FB8] =	sst s10  }
0x35: {  	s10 =	sld [smem:$0x3FB7];
	_ =	sdelay $0x3  }
0x36: {  	p1 =	seq.s32 s10, $0x1;
	s10 =	sld [smem:$0x3FB8];
	_ =	sdelay $0x3  }
0x37: {  	[smem:$0x3FB8] =	sst s10  }
0x38: {  	s10 =	sld [smem:$0x3FB9]  }
0x39: {  	_ = 	snop;
	(pc) =	sbr.ind lr, $3  }
0x3a: {  	_ = 	snop  }
0x3b: {  	_ = 	snop  }
0x3c: {  	p2 =	seq.s32 s10, $0x1;
	s10 =	sld [smem:$0x3FB8]  }
0x3d: {  	_ =	shalt  }
0x3e: {  	_ =	shalt  }
0x3f: {  	_ =	shalt  }
0x40: {  	_ =	shalt  }
0x41: {  	_ =	shalt  }
0x42: {  	_ =	shalt  }
0x43: {  	_ =	shalt  }
0x44: {  	_ =	shalt  }
0x45: {  	_ =	shalt  }
0x46: {  	_ =	shalt  }
0x47: {  	_ =	shalt  }
0x48: {  	_ =	shalt  }
0x49: {  	_ =	shalt  }
0x4a: {  	_ =	shalt  }
0x4b: {  	_ =	shalt  }
0x4c: {  	_ =	shalt  }
0x4d: {  	_ =	shalt  }
0x4e: {  	_ =	shalt  }
0x4f: {  	_ =	shalt  }
0x50: {  	_ =	shalt  }
0x51: {  	_ =	shalt  }
0x52: {  	_ =	shalt  }
0x53: {  	_ =	shalt  }
0x54: {  	_ =	shalt  }
0x55: {  	_ =	shalt  }
0x56: {  	_ =	shalt  }
0x57: {  	_ =	shalt  }
0x58: {  	_ =	shalt  }
0x59: {  	_ =	shalt  }
0x5a: {  	_ =	shalt  }
0x5b: {  	_ =	shalt  }
0x5c: {  	_ =	shalt  }
0x5d: {  	_ =	shalt  }
0x5e: {  	_ =	shalt  }
0x5f: {  	_ =	shalt  }
0x60: {  	_ =	shalt  }
0x61: {  	_ =	shalt  }
0x62: {  	_ =	shalt  }
0x63: {  	_ =	shalt  }
0x64: {  	_ =	shalt  }
0x65: {  	_ =	shalt  }
0x66: {  	_ =	shalt  }
0x67: {  	_ =	shalt  }
0x68: {  	_ =	shalt  }
0x69: {  	_ =	shalt  }
0x6a: {  	_ =	shalt  }
0x6b: {  	_ =	shalt  }
0x6c: {  	_ =	shalt  }
0x6d: {  	_ =	shalt  }
0x6e: {  	_ =	shalt  }
0x6f: {  	_ =	shalt  }
0x70: {  	_ =	shalt  }
0x71: {  	_ =	shalt  }
0x72: {  	_ =	shalt  }
0x73: {  	_ =	shalt  }
0x74: {  	_ =	shalt  }
0x75: {  	_ =	shalt  }
0x76: {  	_ =	shalt  }
0x77: {  	_ =	shalt  }
0x78: {  	_ =	shalt  }
0x79: {  	_ =	shalt  }
0x7a: {  	_ =	shalt  }
0x7b: {  	_ =	shalt  }
0x7c: {  	_ =	shalt  }
0x7d: {  	_ =	shalt  }
0x7e: {  	_ =	shalt  }
0x7f: {  	_ =	shalt  }
0x80: {  	_ =	shalt  }
0x81: {  	_ =	shalt  }
0x82: {  	_ =	shalt  }
0x83: {  	_ =	shalt  }
0x84: {  	_ =	shalt  }
0x85: {  	_ =	shalt  }
0x86: {  	_ =	shalt  }
0x87: {  	_ =	shalt  }
.Lfunc_end0:
.L_simem_size_0:
called_computation_lowered:
.L_overlay_start_0:
0x88: {  	s2 =	sld [smem:$0x3FD9]  }
0x89: {  	s3 =	sld [smem:$0x3FFE];
	_ =	sdelay $0x1  }
0x8a: {  	s1 =	srdreg.scid  }
0x8b: {  	s0 =	sand.u32 $0x1, s1  }
0x8c: {  	s17 =	sshll.u32 s0, $0xA;
	s2 =	sadd.s32 s3, s2  }
0x8d: {  	s2 =	sadd.s32 s2, s17  }
0x8e: {  	[smem:$0x3FC4] =	sst s2  }
0x8f: {  	_ = 	snop  }
0x90: {  	s2 =	sld [smem:$0x3FC9]  }
0x91: {  	s18 =	sld [smem:$0x3FC8]  }
0x92: {  	s4 =	sld [smem:$0x3FC7]  }
0x93: {  	s5 =	sld [smem:$0x3FC6];
	(tm) =	ssettm $0x1  }
0x94: {  	s6 =	sld [smem:$0x3FFB];
	_ =	sdelay $0x3  }
0x95: {  	_ =	strace s6  }
0x96: {  	s6 =	sld [smem:$0x3FFC];
	_ =	sdelay $0x3  }
0x97: {  	_ =	strace s6  }
0x98: {  	s6 =	sld [smem:$0x3FFD];
	_ =	sdelay $0x3  }
0x99: {  	_ =	strace s6  }
0x9a: {  	_ =	strace $0x8FFFFFFF  }
0x9b: {  	s19 =	sld [smem:$0x3FDB];
	_ =	sdelay $0x1  }
0x9c: {  	s7 =	simm.s32 $_scs_section_size  }
0x9d: {  	s8 =	simm.s32 $_size__tile_overlayer_lowered;
	s9 =	simm.s32 $_tile_overlayer_lowered  }
0x9e: {  	s22 =	simm.s32 $0x1BFF;
	s21 =	sshll.u32 s9, $0x1;
	s6 =	sadd.s32 s7, s19  }
0x9f: {  	s10 =	simm.s32 $0x0;
	s20 =	sshll.u32 s8, $0x1;
	s8 =	sadd.s32 s21, s6  }
0xa0: {  	[timem:s10], [sflag:s22] =	dma.local [hbm:s8], s20  }
0xa1: {  	_ =	swait.ge [sflag:s22], s20  }
0xa2: {  	s7 =	ssub.s32 $0x0, s20;
	[sflag:s22] =	ssyncset.done $0x0  }
0xa3: {  	[sflag:s22] =	ssyncadd.s32 s7;
	_ =	sdelay $0x1  }
0xa4: {  	s23 =	simm.s32 $0x1B8B  }
0xa5: {  	_ =	swait.ge [sflag:s23], $0x1  }
0xa6: {  	[sflag:s23] =	ssyncset.done $0x0  }
0xa7: {  	s25 =	simm.s32 $0x1B8E;
	s24 =	sld [smem:$0x3FFE];
	[sflag:s23] =	ssyncadd.s32 $0xFFFFFFFF  }
0xa8: {  	s26 =	simm.s32 $execute0_lowered;
	[smem:$0x3FD2] =	sst s25  }
0xa9: {  	s8 =	sshll.u32 s26, $0x1;
	_ =	strace $0x80000046;
	[dreg:$0x1] =	wrdreg $0xFFFFFFFF  }
0xaa: {  	s28 =	simm.s32 $_size_execute0_lowered;
	s6 =	sadd.s32 s6, s8;
	[dreg:$0x0] =	wrdreg $0x0  }
0xab: {  	s8 =	sshll.u32 s28, $0x1;
	[dreg:$0x2] =	wrdreg s6  }
0xac: {  	[dreg:$0x3] =	wrdreg s8  }
0xad: {  	[dreg:$0x4] =	wrdreg $0xC0  }
0xae: {  	_ =	task [dreg:s10], $0x5FFFF  }
0xaf: {  	[dreg:$0x1] =	wrdreg $0xFFFFFFFF  }
0xb0: {  	[dreg:$0x0] =	wrdreg $0x60  }
0xb1: {  	[dreg:$0x2] =	wrdreg s2  }
0xb2: {  	[dreg:$0x3] =	wrdreg s18  }
0xb3: {  	[dreg:$0x4] =	wrdreg s4  }
0xb4: {  	[dreg:$0x5] =	wrdreg s5  }
0xb5: {  	[dreg:$0x6] =	wrdreg s24  }
0xb6: {  	[dreg:$0x7] =	wrdreg $0x9  }
0xb7: {  	_ =	task.clear_ibuf [dreg:s10], $0x8FFFF;
	_ =	strace $0x90000046  }
0xb8: {  	s29 =	simm.s32 $0x9;
	_ =	strace $0x80000048  }
0xb9: {  	_ =	swait.ge [sflag:s29], $0x1  }
0xba: {  	[sflag:s29] =	ssyncadd.s32 $0xFFFFFFFF  }
0xbb: {  	_ =	strace $0x90000048  }
0xbc: {  	_ =	sfence  }
0xbd: {  	s30 =	sld [smem:$0x0];
	_ =	sdelay $0x2  }
0xbe: {  	s31 =	sshll.u32 s1, $0xD;
	s1 =	sshrl.u32 s1, $0x2  }
0xbf: {  	s3 =	sand.u32 $0x4000, s31;
	s1 =	sadd.s32 s1, s30  }
0xc0: {  	s0 =	sor.u32 s3, s0;
	s1 =	sshll.u32 s1, $0x11  }
0xc1: {  	s0 =	sor.u32 s1, s0  }
0xc2: {  	s0 =	sadd.s32 $0x8F2B, s0  }
0xc3: {  	[sflag:s0] =	ssyncadd.remote.s32 $0x1  }
0xc4: {  	_ =	sfence.sel $0xFFFF  }
0xc5: {  	[dreg:$0x0] =	wrdreg $0xFFFFFFFF;
	(pc) =	sbr.abs _section_cstart, $3  }
0xc6: {  	[dreg:$0x1] =	wrdreg $0xFFFFFFFF  }
0xc7: {  	_ =	task.clear_ibuf [dreg:s10], $0x2FFFF;
	_ =	strace $0x9FFFFFFF  }
0xc8: {  	(tm) =	ssettm $0x7FFFFFFF  }
0xc9: {  	_ =	shalt  }
tec
execute0_lowered:
.L_overlay_start_1:
0x0: {  	(tag) =	ssettag $0x1  }
0x1: {  	s1 =	rddreg [dreg:$0x0]  }
0x2: {  	s2 =	rddreg [dreg:$0x1]  }
0x3: {  	s3 =	rddreg [dreg:$0x2]  }
0x4: {  	s4 =	rddreg [dreg:$0x3]  }
0x5: {  	s6 =	rddreg [dreg:$0x4]  }
0x6: {  	s0 =	rddreg [dreg:$0x5];
	s5 =	simm.s32 $0x0  }
0x7: {  	s7 =	srdreg.scid;
	s12 =	simm.s32 $0x80;
	s13 =	simm.s32 $0x100  }
0x8: {  	s14 =	simm.s32 $0x180;
	s15 =	simm.s32 $0x4180;
	s16 =	simm.s32 $0x8180  }
0x9: {  	s17 =	simm.s32 $0x1;
	s18 =	simm.s32 $0xC180;
	s19 =	simm.s32 $0x10180  }
0xa: {  	s20 =	simm.s32 $0x0;
	[smem:$0x7FF] =	sst s5;
	s9 =	sand.u32 $0x1, s7  }
0xb: {  	s7 =	sadd.s32 $0xC00, s6;
	s8 =	sadd.s32 $0x40C00, s6;
	s10 =	ssub.s32 $0x2, s9  }
0xc: {  	s6 =	stileid.u32;
	_ =	strace $0x80000047;
	s11 =	sshrl.u32 s10, $0x1  }
0xd: {  	s31 =	sshll.u32 s6, $0xA;
	s9 =	sshll.u32 s9, $0x9;
	s10 =	ssub.s32 s10, s11  }
0xe: {  	s9 =	sor.u32 s9, s31;
	s11 =	simm.s32 $0x2;
	s10 =	smax.u32 s10, $0x1  }
.LBB2_1:
0xf: {  	s21 =	simm.s32 $0x0  }
.LBB2_2:
0x10: {  	s22 =	sshll.u32 s21, $0x7  }
0x11: {  	s22 =	sadd.s32 s9, s22  }
0x12: {  	s23 =	sshrl.u32 s22, $0x3  }
0x13: {  	s25 =	simm.s32 $0x0;
	s24 =	sadd.s32 s1, s23  }
0x14: {  	[tilespmem:s25], [sflag:$0x2] =	stream.linear.gather [hbm4b:s24+s25], $0x80, $0x38;
	[tilespmem:$0x14180] =	vst v63  }
0x15: {  	_ =	swait.ge [sflag:s11], $0x80  }
0x16: {  	[sflag:s11] =	ssyncset.done $0x0  }
0x17: {  	s31 =	sadd.s32 s2, s23;
	[sflag:s11] =	ssyncadd.s32 $0xFFFFFF80  }
0x18: {  	[tilespmem:s12], [sflag:$0x2] =	stream.linear.gather [hbm4b:s31+s25], $0x80, $0x38;
	[tilespmem:$0x14180] =	vst v63  }
0x19: {  	_ =	swait.ge [sflag:s11], $0x80  }
0x1a: {  	[sflag:s11] =	ssyncset.done $0x0  }
0x1b: {  	s23 =	sadd.s32 s3, s23;
	[sflag:s11] =	ssyncadd.s32 $0xFFFFFF80  }
0x1c: {  	[tilespmem:s13], [sflag:$0x2] =	stream.linear.gather [hbm4b:s23+s25], $0x80, $0x38;
	[tilespmem:$0x14180] =	vst v63  }
0x1d: {  	_ =	swait.ge [sflag:s11], $0x80  }
0x1e: {  	[sflag:s11] =	ssyncset.done $0x0  }
0x1f: {  	[sflag:s11] =	ssyncadd.s32 $0xFFFFFF80  }
0x20: {  	[tilespmem:s14], [sflag:$0x1] =	stream.indirect.gather [hbm4b:s4+s12], $0x80, s25, s12, $0xb8;
	[tilespmem:$0x14180] =	vst v63  }
0x21: {  	_ = 	snop  }
0x22: {  	[tilespmem:s15], [sflag:$0x1] =	stream.indirect.gather [hbm4b:s4+s12], $0x80, s12, s12, $0xb8;
	[tilespmem:$0x14180] =	vst v63  }
0x23: {  	_ = 	snop  }
0x24: {  	[tilespmem:s16], [sflag:$0x1] =	stream.indirect.gather [hbm4b:s4+s12], $0x80, s13, s12, $0xb8;
	[tilespmem:$0x14180] =	vst v63  }
0x25: {  	_ =	swait.ge [sflag:s17], $0x4000  }
0x26: {  	[sflag:s17] =	ssyncset.done $0x0  }
0x27: {  	[sflag:s17] =	ssyncadd.s32 $0xFFFFC000  }
0x28: {  	_ =	swait.ge [sflag:s17], $0x4000  }
0x29: {  	[sflag:s17] =	ssyncset.done $0x0  }
0x2a: {  	[sflag:s17] =	ssyncadd.s32 $0xFFFFC000  }
0x2b: {  	_ =	swait.ge [sflag:s17], $0x4000  }
0x2c: {  	[sflag:s17] =	ssyncset.done $0x0  }
0x2d: {  	s23 =	simm.s32 $0x0;
	[sflag:s17] =	ssyncadd.s32 $0xFFFFC000  }
0x2e: {  	v0 =	vld [tilespmem:s23+$0x8180]  }
0x2f: {  	v1 =	vld [tilespmem:s23+$0x180]  }
0x30: {  	v2 =	vld [tilespmem:s23+$0x190]  }
0x31: {  	v3 =	vld [tilespmem:s23+$0x1A0]  }
0x32: {  	v4 =	vld [tilespmem:s23+$0x8190]  }
0x33: {  	v5 =	vld [tilespmem:s23+$0x1B0]  }
0x34: {  	v6 =	vld [tilespmem:s23+$0x81A0]  }
0x35: {  	v7 =	vadd.f32 $9.999999970e-07, v1;
	v8 =	vadd.f32 $9.999999970e-07, v2;
	v1 =	vld [tilespmem:s23+$0x1C0]  }
0x36: {  	v3 =	vadd.f32 $9.999999970e-07, v3;
	v2 =	vld [tilespmem:s23+$0x81B0]  }
0x37: {  	v9 =	vld [tilespmem:s23+$0x1D0];
	v0 =	vsub.f32 v7, v0;
	v4 =	vsub.f32 v8, v4  }
0x38: {  	v10 =	vadd.f32 $9.999999970e-07, v5;
	v5 =	vld [tilespmem:s23+$0x81C0]  }
0x39: {  	v11 =	vld [tilespmem:s23+$0x1E0];
	v6 =	vsub.f32 v3, v6;
	v0 =	vmul.f32 v0, v0;
	v4 =	vmul.f32 v4, v4  }
0x3a: {  	v12 =	vld [tilespmem:s23+$0x81D0];
	v13 =	vadd.f32 $9.999999970e-07, v1  }
0x3b: {  	v2 =	vsub.f32 v10, v2;
	v1 =	vadd.f32 v4, v0;
	v4 =	vmul.f32 v6, v6;
	v6 =	vld [tilespmem:s23+$0x1F0]  }
0x3c: {  	v0 =	vadd.f32 $9.999999970e-07, v9;
	v9 =	vld [tilespmem:s23+$0x81E0]  }
0x3d: {  	v14 =	vld [tilespmem:s23+$0x4180];
	v2 =	vmul.f32 v2, v2;
	v5 =	vsub.f32 v13, v5;
	v4 =	vadd.f32 v4, v1  }
0x3e: {  	v1 =	vadd.f32 $9.999999970e-07, v11;
	v11 =	vld [tilespmem:s23+$0x81F0]  }
0x3f: {  	v15 =	vld [tilespmem:s23+$0x4190];
	v12 =	vsub.f32 v0, v12;
	v5 =	vmul.f32 v5, v5;
	v4 =	vadd.f32 v2, v4  }
0x40: {  	v16 =	vld [tilespmem:s23+$0x41A0];
	v2 =	vadd.f32 $9.999999970e-07, v6  }
0x41: {  	v17 =	vld [tilespmem:s23+$0x41B0];
	v6 =	vsub.f32 v1, v9;
	v4 =	vadd.f32 v5, v4;
	v5 =	vmul.f32 v12, v12  }
0x42: {  	v18 =	vld [tilespmem:s23+$0x41C0]  }
0x43: {  	v6 =	vmul.f32 v6, v6;
	v9 =	vsub.f32 v2, v11;
	v4 =	vadd.f32 v5, v4;
	v5 =	vld [tilespmem:s23+$0x41D0]  }
0x44: {  	v12 =	vsub.f32 v8, v15;
	v11 =	vsub.f32 v7, v14;
	v7 =	vld [tilespmem:s23+$0x41E0]  }
0x45: {  	s24 =	simm.s32 $0x80;
	v14 =	vsub.f32 v3, v16;
	v63 =	vmul.f32 v9, v9;
	v15 =	vadd.f32 v6, v4;
	v6 =	vld [tilespmem:s23+$0x41F0]  }
0x46: {  	v10 =	vsub.f32 v10, v17;
	v3 =	vld [tilespmem:s24+$0x8180];
	v12 =	vmul.f32 v12, v12;
	v8 =	vmul.f32 v11, v11  }
0x47: {  	s25 =	simm.s32 $0x400;
	v9 =	vmul.f32 v14, v14;
	v11 =	vsub.f32 v13, v18;
	v4 =	vld [tilespmem:s24+$0x180];
	v13 =	vadd.f32 v63, v15  }
.LBB2_3:
0x48: {  	p0 =	sne.s32 s25, $0xFE00;
	v14 =	vld [tilespmem:s24+$0x190];
	v8 =	vadd.f32 v12, v8;
	v10 =	vmul.f32 v10, v10;
	v0 =	vsub.f32 v0, v5  }
0x49: {  	v5 =	vld [tilespmem:s24+$0x1A0];
	v11 =	vmul.f32 v11, v11;
	v1 =	vsub.f32 v1, v7;
	[tilespmem:s23+$0x10180] =	vst v13  }
0x4a: {  	v7 =	vld [tilespmem:s24+$0x8190];
	v8 =	vadd.f32 v9, v8;
	v0 =	vmul.f32 v0, v0;
	v2 =	vsub.f32 v2, v6  }
0x4b: {  	v6 =	vld [tilespmem:s24+$0x1B0];
	v1 =	vmul.f32 v1, v1  }
0x4c: {  	v9 =	vld [tilespmem:s24+$0x81A0];
	v8 =	vadd.f32 v10, v8;
	v2 =	vmul.f32 v2, v2  }
0x4d: {  	v4 =	vadd.f32 $9.999999970e-07, v4;
	v10 =	vadd.f32 $9.999999970e-07, v14;
	v12 =	vld [tilespmem:s24+$0x1C0]  }
0x4e: {  	v13 =	vadd.f32 $9.999999970e-07, v5;
	v5 =	vld [tilespmem:s24+$0x81B0];
	v8 =	vadd.f32 v11, v8  }
0x4f: {  	v3 =	vsub.f32 v4, v3;
	v7 =	vsub.f32 v10, v7;
	v11 =	vld [tilespmem:s24+$0x1D0]  }
0x50: {  	v14 =	vadd.f32 $9.999999970e-07, v6;
	v6 =	vld [tilespmem:s24+$0x81C0];
	v0 =	vadd.f32 v0, v8  }
0x51: {  	v3 =	vmul.f32 v3, v3;
	v7 =	vmul.f32 v7, v7;
	v8 =	vsub.f32 v13, v9;
	v9 =	vld [tilespmem:s24+$0x1E0]  }
0x52: {  	v15 =	vadd.f32 $9.999999970e-07, v12;
	v12 =	vld [tilespmem:s24+$0x81D0];
	v1 =	vadd.f32 v1, v0  }
0x53: {  	v3 =	vadd.f32 v7, v3;
	v7 =	vmul.f32 v8, v8;
	v5 =	vsub.f32 v14, v5;
	v8 =	vld [tilespmem:s24+$0x1F0]  }
0x54: {  	v0 =	vadd.f32 $9.999999970e-07, v11;
	v11 =	vld [tilespmem:s24+$0x81E0];
	v2 =	vadd.f32 v2, v1  }
0x55: {  	v16 =	vld [tilespmem:s24+$0x4180];
	v3 =	vadd.f32 v7, v3;
	v5 =	vmul.f32 v5, v5;
	v6 =	vsub.f32 v15, v6  }
0x56: {  	v1 =	vadd.f32 $9.999999970e-07, v9;
	v7 =	vld [tilespmem:s24+$0x81F0];
	[tilespmem:s23+$0xC180] =	vst v2;
	s23 =	smov.u32 s24  }
0x57: {  	v9 =	vld [tilespmem:s23+$0x4190];
	v3 =	vadd.f32 v5, v3;
	v5 =	vmul.f32 v6, v6;
	v6 =	vsub.f32 v0, v12  }
0x58: {  	v12 =	vld [tilespmem:s23+$0x41A0];
	v2 =	vadd.f32 $9.999999970e-07, v8  }
0x59: {  	v17 =	vld [tilespmem:s23+$0x41B0];
	v3 =	vadd.f32 v5, v3;
	v6 =	vmul.f32 v6, v6;
	v8 =	vsub.f32 v1, v11  }
0x5a: {  	v4 =	vsub.f32 v4, v16;
	v11 =	vld [tilespmem:s23+$0x41C0]  }
.Ltmp0:
0x5b: {  	v5 =	vld [tilespmem:s23+$0x41D0];
	v3 =	vadd.f32 v6, v3;
	v6 =	vmul.f32 v8, v8;
	v16 =	vsub.f32 v2, v7;
	(pc) =	sbr.rel @p0 .LBB2_3-.Ltmp0, $4  }
0x5c: {  	v8 =	vmul.f32 v4, v4;
	v4 =	vsub.f32 v10, v9;
	v7 =	vld [tilespmem:s23+$0x41E0]  }
0x5d: {  	s24 =	sshra.s32 s25, $0x2;
	v9 =	vsub.f32 v13, v12;
	v13 =	vadd.f32 v6, v3;
	v6 =	vld [tilespmem:s23+$0x41F0];
	v16 =	vmul.f32 v16, v16  }
0x5e: {  	v3 =	vld [tilespmem:s24+$0x8180];
	v12 =	vmul.f32 v4, v4;
	v10 =	vsub.f32 v14, v17  }
0x5f: {  	s25 =	sadd.s32 $0x200, s25;
	v4 =	vld [tilespmem:s24+$0x180];
	v9 =	vmul.f32 v9, v9;
	v11 =	vsub.f32 v15, v11;
	v13 =	vadd.f32 v16, v13  }
0x60: {  	v14 =	vld [tilespmem:s24+$0x190];
	v8 =	vadd.f32 v12, v8  }
0x61: {  	v15 =	vld [tilespmem:s24+$0x1A0];
	[tilespmem:s23+$0x10180] =	vst v13  }
0x62: {  	v10 =	vmul.f32 v10, v10;
	v37 =	vld [tilespmem:s24+$0x8190];
	v8 =	vadd.f32 v9, v8  }
0x63: {  	v38 =	vld [tilespmem:s24+$0x1B0]  }
0x64: {  	v0 =	vsub.f32 v0, v5;
	v39 =	vmul.f32 v11, v11;
	v13 =	vld [tilespmem:s24+$0x81A0];
	v8 =	vadd.f32 v10, v8  }
0x65: {  	v40 =	vld [tilespmem:s24+$0x1C0]  }
0x66: {  	v1 =	vsub.f32 v1, v7;
	v41 =	vld [tilespmem:s24+$0x81B0];
	v0 =	vmul.f32 v0, v0;
	v5 =	vadd.f32 v39, v8  }
0x67: {  	v42 =	vld [tilespmem:s24+$0x1D0]  }
0x68: {  	v43 =	vld [tilespmem:s24+$0x81C0];
	v2 =	vsub.f32 v2, v6;
	v1 =	vmul.f32 v1, v1;
	v0 =	vadd.f32 v0, v5  }
0x69: {  	v44 =	vld [tilespmem:s24+$0x1E0]  }
0x6a: {  	v45 =	vld [tilespmem:s24+$0x81D0];
	v2 =	vmul.f32 v2, v2;
	v0 =	vadd.f32 v1, v0  }
0x6b: {  	v46 =	vld [tilespmem:s24+$0x1F0]  }
0x6c: {  	v16 =	vld [tilespmem:s24+$0x81E0];
	v0 =	vadd.f32 v2, v0  }
0x6d: {  	v47 =	vld [tilespmem:s24+$0x4180]  }
0x6e: {  	v17 =	vld [tilespmem:s24+$0x81F0];
	v4 =	vadd.f32 $9.999999970e-07, v4;
	[tilespmem:s23+$0xC180] =	vst v0  }
0x6f: {  	v14 =	vadd.f32 $9.999999970e-07, v14;
	v0 =	vld [tilespmem:s24+$0x4190]  }
0x70: {  	v15 =	vadd.f32 $9.999999970e-07, v15;
	v3 =	vsub.f32 v4, v3  }
0x71: {  	v12 =	vsub.f32 v14, v37;
	v9 =	vadd.f32 $9.999999970e-07, v38;
	v18 =	vld [tilespmem:s24+$0x41A0]  }
0x72: {  	v48 =	vsub.f32 v15, v13;
	v10 =	vadd.f32 $9.999999970e-07, v40  }
0x73: {  	v7 =	vadd.f32 $9.999999970e-07, v42;
	v54 =	vadd.f32 $9.999999970e-07, v44;
	v49 =	vld [tilespmem:s24+$0x41B0]  }
0x74: {  	v2 =	vsub.f32 v4, v47;
	v0 =	vsub.f32 v14, v0  }
0x75: {  	v3 =	vmul.f32 v3, v3;
	v12 =	vmul.f32 v12, v12;
	v11 =	vsub.f32 v9, v41;
	v51 =	vld [tilespmem:s24+$0x41C0]  }
0x76: {  	v2 =	vmul.f32 v2, v2;
	v50 =	vsub.f32 v15, v18;
	v0 =	vmul.f32 v0, v0  }
0x77: {  	v8 =	vsub.f32 v10, v43;
	v3 =	vadd.f32 v12, v3;
	v12 =	vmul.f32 v48, v48;
	v52 =	vld [tilespmem:s24+$0x41D0]  }
0x78: {  	v4 =	vsub.f32 v9, v49;
	v53 =	vmul.f32 v50, v50;
	v0 =	vadd.f32 v0, v2  }
0x79: {  	v6 =	vsub.f32 v7, v45;
	v11 =	vmul.f32 v11, v11;
	v3 =	vadd.f32 v12, v3;
	v55 =	vld [tilespmem:s24+$0x41E0]  }
0x7a: {  	v10 =	vsub.f32 v10, v51;
	v4 =	vmul.f32 v4, v4;
	v0 =	vadd.f32 v53, v0  }
0x7b: {  	v58 =	vsub.f32 v54, v16;
	v8 =	vmul.f32 v8, v8;
	v3 =	vadd.f32 v11, v3;
	v56 =	vld [tilespmem:s24+$0x41F0]  }
0x7c: {  	v7 =	vsub.f32 v7, v52;
	v10 =	vmul.f32 v10, v10;
	v0 =	vadd.f32 v4, v0  }
0x7d: {  	v1 =	vadd.f32 $9.999999970e-07, v46;
	v57 =	vmul.f32 v6, v6;
	v3 =	vadd.f32 v8, v3  }
0x7e: {  	v59 =	vmul.f32 v7, v7;
	v2 =	vsub.f32 v54, v55;
	v0 =	vadd.f32 v10, v0  }
0x7f: {  	v60 =	vmul.f32 v58, v58;
	v61 =	vsub.f32 v1, v17;
	v3 =	vadd.f32 v57, v3  }
0x80: {  	v1 =	vsub.f32 v1, v56;
	v2 =	vmul.f32 v2, v2;
	v0 =	vadd.f32 v59, v0  }
0x81: {  	v62 =	vmul.f32 v61, v61;
	v3 =	vadd.f32 v60, v3  }
0x82: {  	v1 =	vmul.f32 v1, v1;
	v0 =	vadd.f32 v2, v0  }
0x83: {  	v63 =	vadd.f32 v62, v3  }
0x84: {  	v0 =	vadd.f32 v1, v0  }
0x85: {  	s22 =	sshll.u32 s22, $0x4;
	[tilespmem:s24+$0x10180] =	vst v63  }
0x86: {  	s31 =	sadd.s32 s7, s22;
	[tilespmem:s24+$0xC180] =	vst v0  }
0x87: {  	[hbm4b:s31+s5] =	stream.linear.scatter [tilespmem:s18], [sflag:$0x2], $0x4000, $0x38;
	[tilespmem:$0x14180] =	vst v63  }
0x88: {  	s21 =	sadd.s32 $0x1, s21;
	_ =	swait.ge [sflag:s11], $0x4000  }
0x89: {  	p0 =	sne.s32 s21, $0x4;
	[sflag:s11] =	ssyncset.done $0x0  }
.Ltmp1:
0x8a: {  	s22 =	sadd.s32 s8, s22;
	[sflag:s11] =	ssyncadd.s32 $0xFFFFC000;
	(pc) =	sbr.rel @p0 .LBB2_2-.Ltmp1, $4  }
0x8b: {  	[hbm4b:s22+s5] =	stream.linear.scatter [tilespmem:s19], [sflag:$0x2], $0x4000, $0x38;
	[tilespmem:$0x14180] =	vst v63  }
0x8c: {  	_ =	swait.ge [sflag:s11], $0x4000  }
0x8d: {  	[sflag:s11] =	ssyncset.done $0x0  }
0x8e: {  	[sflag:s11] =	ssyncadd.s32 $0xFFFFC000  }
0x8f: {  	s20 =	sadd.s32 $0x1, s20  }
0x90: {  	p0 =	sne.s32 s20, s10  }
.Ltmp2:
0x91: {  	_ = 	snop;
	(pc) =	sbr.rel @p0 .LBB2_1-.Ltmp2, $1  }
0x92: {  	_ =	sdelay $0x3  }
0x93: {  	_ =	sfence.sel $0x180000  }
0x94: {  	[bflag:$0x0] =	sbarrier.arrive $0xFFFF  }
0x95: {  	p0 =	sne.s32 s6, $0x0;
	_ =	strace $0x90000047  }
0x96: {  	s0 =	sadd.s32 @!p0 $0x100000, s0;
	[bflag:$0x2] =	sbarrier.arrive $0xFFFF  }
0x97: {  	[sflag:s0] =	ssyncadd.tile.s32 @!p0 $0x1;
	_ =	shalt  }
.Lfunc_end2:
_tile_overlayer_lowered:
.L_overlay_start_2:
0x98: {  	(tag) =	ssettag $0x2  }
0x99: {  	s0 =	rddreg [dreg:$0x0];
	s2 =	stileid.u32  }
0x9a: {  	s1 =	rddreg [dreg:$0x1];
	p0 =	sne.s32 s2, $0x0  }
0x9b: {  	s3 =	rddreg [dreg:$0x2];
	[bflag:$0x3] =	sbarrier.arrive $0xFFFF;
	s2 =	simm.s32 @!p0 $0x1C02  }
0x9c: {  	[timem:s3], [sflag:s2] =	dma.local @!p0 [hbm:s0], s1  }
0x9d: {  	s0 =	simm.s32 @!p0 $0x2  }
0x9e: {  	_ =	swait.ge @!p0 [sflag:s0], s1  }
0x9f: {  	s1 =	ssub.s32 @!p0 $0x0, s1;
	[sflag:s0] =	ssyncset.done @!p0 $0x0  }
0xa0: {  	[sflag:s0] =	ssyncadd.s32 @!p0 s1  }
0xa1: {  	[bflag:$0x3] =	sbarrier.arrive $0xFFFF  }
0xa2: {  	_ =	shalt  }

</sc_bundles>
